<compile_context>
chip_gen: v7x
topology: tpu7x:2x2x1
jax: 0.10.2.dev20260603
libtpu: 0.0.44.dev20260713+nightly
codegen_flags: <defaults>
</compile_context>

<pallas_src>
import functools

import jax
import jax.numpy as jnp
from jax import lax
from jax.experimental import pallas as pl
from jax.experimental.pallas import tpu as pltpu
from jax.experimental.pallas import tpu_sc as plsc


def _table_body(nh_ref, se_ref, w1b_ref, w1d_ref, t_ref):
    bf = jnp.dot(nh_ref[:], w1b_ref[:], preferred_element_type=jnp.float32)
    df = jnp.dot(se_ref[:], w1d_ref[:], preferred_element_type=jnp.float32)
    bw = (lax.bitcast_convert_type(bf, jnp.uint32) + 0x8000) >> 16
    dw = ((lax.bitcast_convert_type(df, jnp.uint32) + 0x8000) >> 16) << 16
    t_ref[...] = dw | bw


def _make_table(node_h, seq_emb, w1b, w1d, blk=1000):
    res, h = node_h.shape
    nb = res // blk
    return pl.pallas_call(
        _table_body,
        grid=(nb,),
        in_specs=[
            pl.BlockSpec((blk, h), lambda i: (i, 0)),
            pl.BlockSpec((blk, h), lambda i: (i, 0)),
            pl.BlockSpec((h, h), lambda i: (0, 0)),
            pl.BlockSpec((h, h), lambda i: (0, 0)),
        ],
        out_specs=pl.BlockSpec((blk, h), lambda i: (i, 0)),
        out_shape=jax.ShapeDtypeStruct((res, h), jnp.uint32),
    )(node_h, seq_emb, w1b, w1d)


def _pick_chunk(epw):
    for c in range(400, 7, -8):
        if epw % c == 0 and (epw // c) % 2 == 1:
            return c
    raise ValueError(epw)


def _sc_gather(table, flat_idx):
    res, d = table.shape
    e = flat_idx.shape[0]
    info = plsc.get_sparse_core_info()
    nc, ns = info.num_cores, info.num_subcores
    nw = nc * ns
    epw = e // nw
    chunk = _pick_chunk(epw)
    nchunks = epw // chunk
    mesh = plsc.VectorSubcoreMesh(core_axis_name="c", subcore_axis_name="s")

    nbuf = 2
    assert (nchunks - 1) % nbuf == 0

    @functools.partial(
        pl.kernel,
        out_type=jax.ShapeDtypeStruct((e, d), table.dtype),
        mesh=mesh,
        scratch_types=(
            [pltpu.VMEM((epw,), jnp.int32)]
            + [pltpu.VMEM((chunk, d), table.dtype) for _ in range(nbuf)]
            + [pltpu.SemaphoreType.DMA for _ in range(2 * nbuf)]
        ),
    )
    def gather_k(t_hbm, idx_hbm, out_hbm, idx_all, *bufs):
        rows = bufs[:nbuf]
        gsem = bufs[nbuf:2 * nbuf]
        ssem = bufs[2 * nbuf:]
        wid = lax.axis_index("s") * nc + lax.axis_index("c")
        base = wid * epw

        def start_gather(j, b):
            pltpu.async_copy(t_hbm.at[idx_all.at[pl.ds(j * chunk, chunk)]],
                             rows[b], gsem[b])

        def wait_gather(b):
            pltpu.make_async_copy(t_hbm.at[idx_all.at[pl.ds(0, chunk)]],
                                  rows[b], gsem[b]).wait()

        def start_store(j, b):
            pltpu.async_copy(rows[b], out_hbm.at[pl.ds(base + j * chunk, chunk)],
                             ssem[b])

        def wait_store(b):
            pltpu.make_async_copy(rows[b], out_hbm.at[pl.ds(base, chunk)],
                                  ssem[b]).wait()

        pltpu.sync_copy(idx_hbm.at[pl.ds(base, epw)], idx_all)
        start_gather(0, 0)
        for b in range(1, nbuf):
            start_store(b, b)

        def group(p, carry):
            j0 = nbuf * p
            for s in range(nbuf):
                j = j0 + s
                b = s
                nb = (s + 1) % nbuf
                wait_store(nb)
                pltpu.async_copy(
                    t_hbm.at[idx_all.at[pl.ds((j + 1) * chunk, chunk)]],
                    rows[nb], gsem[nb])
                wait_gather(b)
                start_store(j, b)
            return carry

        lax.fori_loop(0, (nchunks - 1) // nbuf, group, 0)
        wait_gather(0)
        start_store(nchunks - 1, 0)
        for b in range(nbuf):
            wait_store(b)

    return gather_k(table, flat_idx)


def _ln(x, g, b, eps=1e-5):
    mu = jnp.mean(x, axis=-1, keepdims=True)
    var = jnp.mean((x - mu) ** 2, axis=-1, keepdims=True)
    return (x - mu) / jnp.sqrt(var + eps) * g + b


def _gelu2(x):
    return x * lax.erf(x * 0.7071067811865476) + x


def _main_body(nh_ref, eh_ref, tg_ref, ar_ref, w1a, b1r, w1c, w2, b2r, w3, b3r,
               wf1, bf1r, wf2, bf2r, g1r, be1r, g2r, be2r, out_ref):
    blk, k, h = eh_ref.shape
    f32 = jnp.float32
    nh = nh_ref[:]
    a = jnp.dot(nh, w1a[:], preferred_element_type=f32) + b1r[:]
    eh = eh_ref[:].reshape(blk * k, h)
    pre = jnp.dot(eh, w1c[:], preferred_element_type=f32).reshape(blk, k, h)
    tg = tg_ref[:]
    bg = lax.bitcast_convert_type(tg << 16, jnp.float32)
    dg = lax.bitcast_convert_type(tg, jnp.float32)
    arb = lax.broadcast_in_dim(ar_ref[:], (blk, k, h), (0, 1))
    x = _gelu2(pre + a[:, None, :] + bg + arb * dg)
    x2 = _gelu2(jnp.dot(x.reshape(blk * k, h), w2[:], preferred_element_type=f32) + b2r[:])
    s = jnp.sum(x2.reshape(blk, k, h), axis=1)
    agg = jnp.dot(s, w3[:], preferred_element_type=f32) + k * b3r[:]
    nh1 = _ln(nh + agg, g1r[:], be1r[:])
    ff1 = _gelu2(jnp.dot(nh1, wf1[:], preferred_element_type=f32) + bf1r[:])
    ff = jnp.dot(ff1, wf2[:], preferred_element_type=f32) + bf2r[:]
    out_ref[:] = _ln(nh1 + ff, g2r[:], be2r[:])


def _main(node_h, edge_h, tg3, ar_mask, w1a, b1r, w1c, w2, b2r, w3, b3r,
          wf1, bf1r, wf2, bf2r, g1r, be1r, g2r, be2r, blk=400, interpret=False):
    res, k, h = edge_h.shape
    nb = res // blk
    full = lambda s: pl.BlockSpec(s, lambda i: tuple(0 for _ in s))
    return pl.pallas_call(
        _main_body,
        grid=(nb,),
        in_specs=[
            pl.BlockSpec((blk, h), lambda i: (i, 0)),
            pl.BlockSpec((blk, k, h), lambda i: (i, 0, 0)),
            pl.BlockSpec((blk, k, h), lambda i: (i, 0, 0)),
            pl.BlockSpec((blk, k), lambda i: (i, 0)),
            full((h, h)), full((1, h)),
            full((h, h)), full((h, h)), full((1, h)),
            full((h, h)), full((1, h)),
            full((h, 4 * h)), full((1, 4 * h)),
            full((4 * h, h)), full((1, h)),
            full((1, h)), full((1, h)), full((1, h)), full((1, h)),
        ],
        out_specs=pl.BlockSpec((blk, h), lambda i: (i, 0)),
        out_shape=jax.ShapeDtypeStruct((res, h), jnp.float32),
        interpret=interpret,
    )(node_h, edge_h, tg3, ar_mask, w1a, b1r, w1c, w2, b2r, w3, b3r,
      wf1, bf1r, wf2, bf2r, g1r, be1r, g2r, be2r)


def kernel(node_h, edge_h, edge_idx, seq_emb, ar_mask, W1, b1, W2, b2, W3, b3,
           Wf1, bf1, Wf2, bf2, g1, be1, g2, be2):
    res, h = node_h.shape
    k = edge_idx.shape[1]
    w1a, w1b, w1c, w1d = W1[:h], W1[h:2 * h], W1[2 * h:3 * h], W1[3 * h:]
    table = _make_table(node_h, seq_emb, w1b, w1d)
    r1 = lambda v: v.reshape(1, -1)
    tg = _sc_gather(table, edge_idx.reshape(-1))
    return _main(node_h, edge_h, tg.reshape(res, k, h), ar_mask,
                 w1a, r1(b1), w1c, 0.5 * W2, r1(b2), 0.5 * W3, r1(b3),
                 Wf1, r1(bf1), 0.5 * Wf2, r1(bf2), r1(g1), r1(be1), r1(g2), r1(be2))

# --- scband reference (transcript-rebuilt; emitter-appended) ---
"""Pipeline reference for scband-decoder-layer-27745488732661 (READ-ONLY COPY).

The authoritative reference and input builder live on the scoring server;
editing this copy changes nothing except your own understanding.
"""

import jax, jax.numpy as jnp
import numpy as np

RES, K, H = 10000, 32, 128

def _gelu(x):
    return jax.nn.gelu(x, approximate=False)

def _ln(x, g, b, eps=1e-5):
    mu = jnp.mean(x, axis=-1, keepdims=True)
    var = jnp.mean((x - mu) ** 2, axis=-1, keepdims=True)
    return (x - mu) / jnp.sqrt(var + eps) * g + b

def setup_inputs(seed: int = 0):
    key = jax.random.key(seed)
    ks = jax.random.split(key, 12)
    h = H
    sc = 0.05
    inp = {}
    inp['node_h'] = jax.random.normal(ks[0], (RES, h), dtype=jnp.float32)
    inp['edge_h'] = jax.random.normal(ks[1], (RES, K, h), dtype=jnp.float32)
    inp['edge_idx'] = jax.random.randint(ks[2], (RES, K), 0, RES, dtype=jnp.int32)
    inp['seq_emb'] = jax.random.normal(ks[3], (RES, h), dtype=jnp.float32)
    inp['ar_mask'] = jax.random.uniform(ks[4], (RES, K), dtype=jnp.float32)
    # msg_mlp: Linear(4h->h), GELU, Linear(h->h), GELU, Linear(h->h)
    inp['W1'] = jax.random.normal(ks[5], (4 * h, h), dtype=jnp.float32) * sc
    inp['b1'] = jnp.zeros((h,), jnp.float32)
    inp['W2'] = jax.random.normal(ks[6], (h, h), dtype=jnp.float32) * sc
    inp['b2'] = jnp.zeros((h,), jnp.float32)
    inp['W3'] = jax.random.normal(ks[7], (h, h), dtype=jnp.float32) * sc
    inp['b3'] = jnp.zeros((h,), jnp.float32)
    # ff_node: Linear(h->4h), GELU, Linear(4h->h)
    inp['Wf1'] = jax.random.normal(ks[8], (h, 4 * h), dtype=jnp.float32) * sc
    inp['bf1'] = jnp.zeros((4 * h,), jnp.float32)
    inp['Wf2'] = jax.random.normal(ks[9], (4 * h, h), dtype=jnp.float32) * sc
    inp['bf2'] = jnp.zeros((h,), jnp.float32)
    # LayerNorms
    inp['g1'] = jnp.ones((h,), jnp.float32)
    inp['be1'] = jnp.zeros((h,), jnp.float32)
    inp['g2'] = jnp.ones((h,), jnp.float32)
    inp['be2'] = jnp.zeros((h,), jnp.float32)
    return inp

def reference(node_h, edge_h, edge_idx, seq_emb, ar_mask, W1, b1, W2, b2, W3, b3, Wf1, bf1, Wf2, bf2, g1, be1, g2, be2):
    res, k = edge_idx.shape
    flat_idx = edge_idx.reshape(-1)
    # gather sequence embeddings of neighbors, gated by autoregressive mask
    seq_j = jnp.take(seq_emb, flat_idx, axis=0).reshape(res, k, -1)
    seq_j = seq_j * ar_mask[:, :, None]
    e_dec = jnp.concatenate([edge_h, seq_j], axis=-1)
    # gather neighbor node states (note: original overwrites seq gather with node_h gather)
    h_j = jnp.take(node_h, flat_idx, axis=0).reshape(res, k, -1)
    h_i = jnp.broadcast_to(node_h[:, None, :], h_j.shape)
    x = jnp.concatenate([h_i, h_j, e_dec], axis=-1)
    x = _gelu(x @ W1 + b1)
    x = _gelu(x @ W2 + b2)
    msg = x @ W3 + b3
    agg = jnp.sum(msg, axis=1)
    nh = _ln(node_h + agg, g1, be1)
    ff = _gelu(nh @ Wf1 + bf1) @ Wf2 + bf2
    out = _ln(nh + ff, g2, be2)
    return out

if __name__ == "__main__":
    import jax
    _d = setup_inputs()
    print(jax.jit(kernel)(*tuple(_d.values())))

</pallas_src>

<mosaic_0001>
#map = affine_map<(d0, d1) -> (0, 0)>
#map1 = affine_map<(d0, d1) -> (0)>
module attributes {stable_mosaic.version = 14 : i64} {
  func.func @gather_k(%arg0: i32, %arg1: i32, %arg2: memref<10000x128xi32, #tpu.memory_space<hbm>>, %arg3: memref<320000xi32, #tpu.memory_space<hbm>>, %arg4: memref<320000x128xi32, #tpu.memory_space<hbm>>, %arg5: memref<10000xi32, #tpu.memory_space<vmem>>, %arg6: memref<400x128xi32, #tpu.memory_space<vmem>>, %arg7: memref<400x128xi32, #tpu.memory_space<vmem>>, %arg8: memref<!tpu.dma_semaphore, #tpu.memory_space<semaphore_mem>>, %arg9: memref<!tpu.dma_semaphore, #tpu.memory_space<semaphore_mem>>, %arg10: memref<!tpu.dma_semaphore, #tpu.memory_space<semaphore_mem>>, %arg11: memref<!tpu.dma_semaphore, #tpu.memory_space<semaphore_mem>>) attributes {dimension_semantics = [#tpu.dimension_semantics<core_parallel>, #tpu.dimension_semantics<subcore_parallel>], iteration_bounds = array<i64: 2, 16>, scalar_prefetch = 0 : i64, scratch_operands = 7 : i64, tpu.core_type = #tpu.core_type<sc_vector_subcore>, window_params = [{transform_indices = #map}, {transform_indices = #map1}, {transform_indices = #map}]} {
    %mul3A = arith.constant 2 : i32
    %mul3A_0 = arith.muli %arg1, %mul3A : i32
    %add3A = arith.addi %mul3A_0, %arg0 : i32
    %mul3A_1 = arith.constant 10000 : i32
    %mul3A_2 = arith.muli %add3A, %mul3A_1 : i32
    "tpu.region"() ({
      %run_scoped3A = tpu.sem_alloc : memref<!tpu.dma_semaphore, #tpu.memory_space<semaphore_mem>>
      %dma_start3A_36 = tpu.memref_slice %arg3[%mul3A_2] : memref<320000xi32, #tpu.memory_space<hbm>> -> memref<10000xi32, #tpu.memory_space<hbm>>
      %dma_start3A_37 = tpu.memref_slice %arg3[%mul3A_2] : memref<320000xi32, #tpu.memory_space<hbm>> -> memref<10000xi32, #tpu.memory_space<hbm>>
      tpu.enqueue_dma source(%dma_start3A_37 : memref<10000xi32, #tpu.memory_space<hbm>>) target(%arg5 : memref<10000xi32, #tpu.memory_space<vmem>>) target_semaphore(%run_scoped3A : memref<!tpu.dma_semaphore, #tpu.memory_space<semaphore_mem>>)
      %dma_wait3A_38 = tpu.memref_slice %arg3[%mul3A_2] : memref<320000xi32, #tpu.memory_space<hbm>> -> memref<10000xi32, #tpu.memory_space<hbm>>
      %dma_wait3A_39 = tpu.memref_slice %arg3[%mul3A_2] : memref<320000xi32, #tpu.memory_space<hbm>> -> memref<10000xi32, #tpu.memory_space<hbm>>
      tpu.wait_dma2 semaphore(%run_scoped3A : memref<!tpu.dma_semaphore, #tpu.memory_space<semaphore_mem>>) src(%dma_wait3A_39 : memref<10000xi32, #tpu.memory_space<hbm>>) dst(%arg5 : memref<10000xi32, #tpu.memory_space<vmem>>)
      tpu.yield
    }) : () -> ()
    %dma_start3A = arith.constant 0 : i32
    %dma_start3A_3 = tpu.memref_slice %arg5[%dma_start3A] : memref<10000xi32, #tpu.memory_space<vmem>> -> memref<400xi32, #tpu.memory_space<vmem>>
    %dma_start3A_4 = arith.constant 0 : i32
    %dma_start3A_5 = arith.constant 0 : i32
    %dma_start3A_6 = tpu.memref_slice %arg2[%dma_start3A_4, %dma_start3A_5] : memref<10000x128xi32, #tpu.memory_space<hbm>> -> memref<10000x128xi32, #tpu.memory_space<hbm>>
    tpu.enqueue_indirect_dma source(%dma_start3A_6 : memref<10000x128xi32, #tpu.memory_space<hbm>>) target(%arg6 : memref<400x128xi32, #tpu.memory_space<vmem>>) offsets(%dma_start3A_3 : memref<400xi32, #tpu.memory_space<vmem>>) semaphore(%arg8 : memref<!tpu.dma_semaphore, #tpu.memory_space<semaphore_mem>>)
    %add3A_7 = arith.constant 400 : i32
    %add3A_8 = arith.addi %mul3A_2, %add3A_7 : i32
    %dma_start3A_9 = arith.constant 0 : i32
    %dma_start3A_10 = tpu.memref_slice %arg4[%add3A_8, %dma_start3A_9] : memref<320000x128xi32, #tpu.memory_space<hbm>> -> memref<400x128xi32, #tpu.memory_space<hbm>>
    %dma_start3A_11 = arith.constant 0 : i32
    %dma_start3A_12 = tpu.memref_slice %arg4[%add3A_8, %dma_start3A_11] : memref<320000x128xi32, #tpu.memory_space<hbm>> -> memref<400x128xi32, #tpu.memory_space<hbm>>
    tpu.enqueue_dma source(%arg7 : memref<400x128xi32, #tpu.memory_space<vmem>>) target(%dma_start3A_12 : memref<400x128xi32, #tpu.memory_space<hbm>>) target_semaphore(%arg11 : memref<!tpu.dma_semaphore, #tpu.memory_space<semaphore_mem>>)
    %scan3A = arith.constant 0 : i32
    %scan3A_13 = arith.constant 0 : i32
    %scan3A_14 = arith.constant 12 : i32
    %scan3A_15 = arith.addi %scan3A_13, %scan3A_14 : i32
    %scan3A_16 = arith.constant 1 : i32
    scf.for %scan3A_36 = %scan3A_13 to %scan3A_15 step %scan3A_16  : i32 {
      %mul3A_37 = arith.constant 2 : i32
      %mul3A_38 = arith.muli %mul3A_37, %scan3A_36 : i32
      %add3A_39 = arith.constant 0 : i32
      %add3A_40 = arith.addi %mul3A_38, %add3A_39 : i32
      %dma_wait3A_41 = arith.constant 0 : i32
      %dma_wait3A_42 = tpu.memref_slice %arg4[%mul3A_2, %dma_wait3A_41] : memref<320000x128xi32, #tpu.memory_space<hbm>> -> memref<400x128xi32, #tpu.memory_space<hbm>>
      %dma_wait3A_43 = arith.constant 0 : i32
      %dma_wait3A_44 = tpu.memref_slice %arg4[%mul3A_2, %dma_wait3A_43] : memref<320000x128xi32, #tpu.memory_space<hbm>> -> memref<400x128xi32, #tpu.memory_space<hbm>>
      tpu.wait_dma2 semaphore(%arg11 : memref<!tpu.dma_semaphore, #tpu.memory_space<semaphore_mem>>) src(%arg7 : memref<400x128xi32, #tpu.memory_space<vmem>>) dst(%dma_wait3A_44 : memref<400x128xi32, #tpu.memory_space<hbm>>)
      %add3A_45 = arith.constant 1 : i32
      %add3A_46 = arith.addi %add3A_40, %add3A_45 : i32
      %mul3A_47 = arith.constant 400 : i32
      %mul3A_48 = arith.muli %add3A_46, %mul3A_47 : i32
      %dma_start3A_49 = tpu.memref_slice %arg5[%mul3A_48] : memref<10000xi32, #tpu.memory_space<vmem>> -> memref<400xi32, #tpu.memory_space<vmem>>
      %dma_start3A_50 = arith.constant 0 : i32
      %dma_start3A_51 = arith.constant 0 : i32
      %dma_start3A_52 = tpu.memref_slice %arg2[%dma_start3A_50, %dma_start3A_51] : memref<10000x128xi32, #tpu.memory_space<hbm>> -> memref<10000x128xi32, #tpu.memory_space<hbm>>
      tpu.enqueue_indirect_dma source(%dma_start3A_52 : memref<10000x128xi32, #tpu.memory_space<hbm>>) target(%arg7 : memref<400x128xi32, #tpu.memory_space<vmem>>) offsets(%dma_start3A_49 : memref<400xi32, #tpu.memory_space<vmem>>) semaphore(%arg9 : memref<!tpu.dma_semaphore, #tpu.memory_space<semaphore_mem>>)
      %dma_wait3A_53 = arith.constant 0 : i32
      %dma_wait3A_54 = tpu.memref_slice %arg5[%dma_wait3A_53] : memref<10000xi32, #tpu.memory_space<vmem>> -> memref<400xi32, #tpu.memory_space<vmem>>
      %dma_wait3A_55 = arith.constant 0 : i32
      %dma_wait3A_56 = arith.constant 0 : i32
      %dma_wait3A_57 = tpu.memref_slice %arg2[%dma_wait3A_55, %dma_wait3A_56] : memref<10000x128xi32, #tpu.memory_space<hbm>> -> memref<10000x128xi32, #tpu.memory_space<hbm>>
      tpu.wait_indirect_dma semaphore(%arg8 : memref<!tpu.dma_semaphore, #tpu.memory_space<semaphore_mem>>) src(%dma_wait3A_57 : memref<10000x128xi32, #tpu.memory_space<hbm>>) dst(%arg6 : memref<400x128xi32, #tpu.memory_space<vmem>>)
      %mul3A_58 = arith.constant 400 : i32
      %mul3A_59 = arith.muli %add3A_40, %mul3A_58 : i32
      %add3A_60 = arith.addi %mul3A_2, %mul3A_59 : i32
      %dma_start3A_61 = arith.constant 0 : i32
      %dma_start3A_62 = tpu.memref_slice %arg4[%add3A_60, %dma_start3A_61] : memref<320000x128xi32, #tpu.memory_space<hbm>> -> memref<400x128xi32, #tpu.memory_space<hbm>>
      %dma_start3A_63 = arith.constant 0 : i32
      %dma_start3A_64 = tpu.memref_slice %arg4[%add3A_60, %dma_start3A_63] : memref<320000x128xi32, #tpu.memory_space<hbm>> -> memref<400x128xi32, #tpu.memory_space<hbm>>
      tpu.enqueue_dma source(%arg6 : memref<400x128xi32, #tpu.memory_space<vmem>>) target(%dma_start3A_64 : memref<400x128xi32, #tpu.memory_space<hbm>>) target_semaphore(%arg10 : memref<!tpu.dma_semaphore, #tpu.memory_space<semaphore_mem>>)
      %add3A_65 = arith.constant 1 : i32
      %add3A_66 = arith.addi %mul3A_38, %add3A_65 : i32
      %dma_wait3A_67 = arith.constant 0 : i32
      %dma_wait3A_68 = tpu.memref_slice %arg4[%mul3A_2, %dma_wait3A_67] : memref<320000x128xi32, #tpu.memory_space<hbm>> -> memref<400x128xi32, #tpu.memory_space<hbm>>
      %dma_wait3A_69 = arith.constant 0 : i32
      %dma_wait3A_70 = tpu.memref_slice %arg4[%mul3A_2, %dma_wait3A_69] : memref<320000x128xi32, #tpu.memory_space<hbm>> -> memref<400x128xi32, #tpu.memory_space<hbm>>
      tpu.wait_dma2 semaphore(%arg10 : memref<!tpu.dma_semaphore, #tpu.memory_space<semaphore_mem>>) src(%arg6 : memref<400x128xi32, #tpu.memory_space<vmem>>) dst(%dma_wait3A_70 : memref<400x128xi32, #tpu.memory_space<hbm>>)
      %add3A_71 = arith.constant 1 : i32
      %add3A_72 = arith.addi %add3A_66, %add3A_71 : i32
      %mul3A_73 = arith.constant 400 : i32
      %mul3A_74 = arith.muli %add3A_72, %mul3A_73 : i32
      %dma_start3A_75 = tpu.memref_slice %arg5[%mul3A_74] : memref<10000xi32, #tpu.memory_space<vmem>> -> memref<400xi32, #tpu.memory_space<vmem>>
      %dma_start3A_76 = arith.constant 0 : i32
      %dma_start3A_77 = arith.constant 0 : i32
      %dma_start3A_78 = tpu.memref_slice %arg2[%dma_start3A_76, %dma_start3A_77] : memref<10000x128xi32, #tpu.memory_space<hbm>> -> memref<10000x128xi32, #tpu.memory_space<hbm>>
      tpu.enqueue_indirect_dma source(%dma_start3A_78 : memref<10000x128xi32, #tpu.memory_space<hbm>>) target(%arg6 : memref<400x128xi32, #tpu.memory_space<vmem>>) offsets(%dma_start3A_75 : memref<400xi32, #tpu.memory_space<vmem>>) semaphore(%arg8 : memref<!tpu.dma_semaphore, #tpu.memory_space<semaphore_mem>>)
      %dma_wait3A_79 = arith.constant 0 : i32
      %dma_wait3A_80 = tpu.memref_slice %arg5[%dma_wait3A_79] : memref<10000xi32, #tpu.memory_space<vmem>> -> memref<400xi32, #tpu.memory_space<vmem>>
      %dma_wait3A_81 = arith.constant 0 : i32
      %dma_wait3A_82 = arith.constant 0 : i32
      %dma_wait3A_83 = tpu.memref_slice %arg2[%dma_wait3A_81, %dma_wait3A_82] : memref<10000x128xi32, #tpu.memory_space<hbm>> -> memref<10000x128xi32, #tpu.memory_space<hbm>>
      tpu.wait_indirect_dma semaphore(%arg9 : memref<!tpu.dma_semaphore, #tpu.memory_space<semaphore_mem>>) src(%dma_wait3A_83 : memref<10000x128xi32, #tpu.memory_space<hbm>>) dst(%arg7 : memref<400x128xi32, #tpu.memory_space<vmem>>)
      %mul3A_84 = arith.constant 400 : i32
      %mul3A_85 = arith.muli %add3A_66, %mul3A_84 : i32
      %add3A_86 = arith.addi %mul3A_2, %mul3A_85 : i32
      %dma_start3A_87 = arith.constant 0 : i32
      %dma_start3A_88 = tpu.memref_slice %arg4[%add3A_86, %dma_start3A_87] : memref<320000x128xi32, #tpu.memory_space<hbm>> -> memref<400x128xi32, #tpu.memory_space<hbm>>
      %dma_start3A_89 = arith.constant 0 : i32
      %dma_start3A_90 = tpu.memref_slice %arg4[%add3A_86, %dma_start3A_89] : memref<320000x128xi32, #tpu.memory_space<hbm>> -> memref<400x128xi32, #tpu.memory_space<hbm>>
      tpu.enqueue_dma source(%arg7 : memref<400x128xi32, #tpu.memory_space<vmem>>) target(%dma_start3A_90 : memref<400x128xi32, #tpu.memory_space<hbm>>) target_semaphore(%arg11 : memref<!tpu.dma_semaphore, #tpu.memory_space<semaphore_mem>>)
    }
    %scan3A_17 = arith.constant 12 : i32
    %dma_wait3A = arith.constant 0 : i32
    %dma_wait3A_18 = tpu.memref_slice %arg5[%dma_wait3A] : memref<10000xi32, #tpu.memory_space<vmem>> -> memref<400xi32, #tpu.memory_space<vmem>>
    %dma_wait3A_19 = arith.constant 0 : i32
    %dma_wait3A_20 = arith.constant 0 : i32
    %dma_wait3A_21 = tpu.memref_slice %arg2[%dma_wait3A_19, %dma_wait3A_20] : memref<10000x128xi32, #tpu.memory_space<hbm>> -> memref<10000x128xi32, #tpu.memory_space<hbm>>
    tpu.wait_indirect_dma semaphore(%arg8 : memref<!tpu.dma_semaphore, #tpu.memory_space<semaphore_mem>>) src(%dma_wait3A_21 : memref<10000x128xi32, #tpu.memory_space<hbm>>) dst(%arg6 : memref<400x128xi32, #tpu.memory_space<vmem>>)
    %add3A_22 = arith.constant 9600 : i32
    %add3A_23 = arith.addi %mul3A_2, %add3A_22 : i32
    %dma_start3A_24 = arith.constant 0 : i32
    %dma_start3A_25 = tpu.memref_slice %arg4[%add3A_23, %dma_start3A_24] : memref<320000x128xi32, #tpu.memory_space<hbm>> -> memref<400x128xi32, #tpu.memory_space<hbm>>
    %dma_start3A_26 = arith.constant 0 : i32
    %dma_start3A_27 = tpu.memref_slice %arg4[%add3A_23, %dma_start3A_26] : memref<320000x128xi32, #tpu.memory_space<hbm>> -> memref<400x128xi32, #tpu.memory_space<hbm>>
    tpu.enqueue_dma source(%arg6 : memref<400x128xi32, #tpu.memory_space<vmem>>) target(%dma_start3A_27 : memref<400x128xi32, #tpu.memory_space<hbm>>) target_semaphore(%arg10 : memref<!tpu.dma_semaphore, #tpu.memory_space<semaphore_mem>>)
    %dma_wait3A_28 = arith.constant 0 : i32
    %dma_wait3A_29 = tpu.memref_slice %arg4[%mul3A_2, %dma_wait3A_28] : memref<320000x128xi32, #tpu.memory_space<hbm>> -> memref<400x128xi32, #tpu.memory_space<hbm>>
    %dma_wait3A_30 = arith.constant 0 : i32
    %dma_wait3A_31 = tpu.memref_slice %arg4[%mul3A_2, %dma_wait3A_30] : memref<320000x128xi32, #tpu.memory_space<hbm>> -> memref<400x128xi32, #tpu.memory_space<hbm>>
    tpu.wait_dma2 semaphore(%arg10 : memref<!tpu.dma_semaphore, #tpu.memory_space<semaphore_mem>>) src(%arg6 : memref<400x128xi32, #tpu.memory_space<vmem>>) dst(%dma_wait3A_31 : memref<400x128xi32, #tpu.memory_space<hbm>>)
    %dma_wait3A_32 = arith.constant 0 : i32
    %dma_wait3A_33 = tpu.memref_slice %arg4[%mul3A_2, %dma_wait3A_32] : memref<320000x128xi32, #tpu.memory_space<hbm>> -> memref<400x128xi32, #tpu.memory_space<hbm>>
    %dma_wait3A_34 = arith.constant 0 : i32
    %dma_wait3A_35 = tpu.memref_slice %arg4[%mul3A_2, %dma_wait3A_34] : memref<320000x128xi32, #tpu.memory_space<hbm>> -> memref<400x128xi32, #tpu.memory_space<hbm>>
    tpu.wait_dma2 semaphore(%arg11 : memref<!tpu.dma_semaphore, #tpu.memory_space<semaphore_mem>>) src(%arg7 : memref<400x128xi32, #tpu.memory_space<vmem>>) dst(%dma_wait3A_35 : memref<400x128xi32, #tpu.memory_space<hbm>>)
    return
  }
}

module attributes {stable_mosaic.version = 14 : i64} {
  func.func @_table_body(%arg0: i32, %arg1: memref<1000x128xf32, #tpu.memory_space<vmem>>, %arg2: memref<1000x128xf32, #tpu.memory_space<vmem>>, %arg3: memref<128x128xf32, #tpu.memory_space<vmem>>, %arg4: memref<128x128xf32, #tpu.memory_space<vmem>>, %arg5: memref<1000x128xi32, #tpu.memory_space<vmem>>) attributes {dimension_semantics = [#tpu.dimension_semantics<arbitrary>], iteration_bounds = array<i64: 10>, scalar_prefetch = 0 : i64, scratch_operands = 0 : i64, tpu.core_type = #tpu.core_type<tc>, window_params = [{transform_indices = @transform_0, window_bounds = array<i64: 1000, 128>}, {transform_indices = @transform_1, window_bounds = array<i64: 1000, 128>}, {pipeline_mode = #tpu.pipeline_mode<synchronous>, transform_indices = @transform_2, window_bounds = array<i64: 128, 128>}, {pipeline_mode = #tpu.pipeline_mode<synchronous>, transform_indices = @transform_3, window_bounds = array<i64: 128, 128>}, {transform_indices = @transform_4, window_bounds = array<i64: 1000, 128>}]} {
    %get3A = arith.constant 0 : index
    %get3A_0 = arith.constant 0 : index
    %get3A_1 = vector.load %arg1[%get3A, %get3A_0] : memref<1000x128xf32, #tpu.memory_space<vmem>>, vector<1000x128xf32>
    %get3A_2 = arith.constant 0 : index
    %get3A_3 = arith.constant 0 : index
    %get3A_4 = vector.load %arg3[%get3A_2, %get3A_3] : memref<128x128xf32, #tpu.memory_space<vmem>>, vector<128x128xf32>
    %dot_general3A = arith.constant dense<0.000000e+00> : vector<1000x128xf32>
    %dot_general3A_5 = tpu.matmul %get3A_1, %get3A_4, %dot_general3A {dimension_numbers = #tpu.dot_dimension_numbers<[1], [0], [0], [1], [0, 0, 1, 1], [], []>, transpose_lhs_hint = false} : vector<1000x128xf32>, vector<128x128xf32>, vector<1000x128xf32> -> vector<1000x128xf32>
    %get3A_6 = arith.constant 0 : index
    %get3A_7 = arith.constant 0 : index
    %get3A_8 = vector.load %arg2[%get3A_6, %get3A_7] : memref<1000x128xf32, #tpu.memory_space<vmem>>, vector<1000x128xf32>
    %get3A_9 = arith.constant 0 : index
    %get3A_10 = arith.constant 0 : index
    %get3A_11 = vector.load %arg4[%get3A_9, %get3A_10] : memref<128x128xf32, #tpu.memory_space<vmem>>, vector<128x128xf32>
    %dot_general3A_12 = arith.constant dense<0.000000e+00> : vector<1000x128xf32>
    %dot_general3A_13 = tpu.matmul %get3A_8, %get3A_11, %dot_general3A_12 {dimension_numbers = #tpu.dot_dimension_numbers<[1], [0], [0], [1], [0, 0, 1, 1], [], []>, transpose_lhs_hint = false} : vector<1000x128xf32>, vector<128x128xf32>, vector<1000x128xf32> -> vector<1000x128xf32>
    %bitcast_convert_type3A = tpu.bitcast %dot_general3A_5 : vector<1000x128xf32> -> vector<1000x128xi32>
    %add3A = arith.constant 32768 : i32
    %add3A_14 = vector.broadcast %add3A : i32 to vector<1000x128xi32>
    %add3A_15 = arith.addi %bitcast_convert_type3A, %add3A_14 : vector<1000x128xi32>
    %shift_right_logical3A = arith.constant 16 : i32
    %shift_right_logical3A_16 = vector.broadcast %shift_right_logical3A : i32 to vector<1000x128xi32>
    %shift_right_logical3A_17 = arith.shrui %add3A_15, %shift_right_logical3A_16 : vector<1000x128xi32>
    %bitcast_convert_type3A_18 = tpu.bitcast %dot_general3A_13 : vector<1000x128xf32> -> vector<1000x128xi32>
    %add3A_19 = arith.constant 32768 : i32
    %add3A_20 = vector.broadcast %add3A_19 : i32 to vector<1000x128xi32>
    %add3A_21 = arith.addi %bitcast_convert_type3A_18, %add3A_20 : vector<1000x128xi32>
    %shift_right_logical3A_22 = arith.constant 16 : i32
    %shift_right_logical3A_23 = vector.broadcast %shift_right_logical3A_22 : i32 to vector<1000x128xi32>
    %shift_right_logical3A_24 = arith.shrui %add3A_21, %shift_right_logical3A_23 : vector<1000x128xi32>
    %shift_left3A = arith.constant 16 : i32
    %shift_left3A_25 = vector.broadcast %shift_left3A : i32 to vector<1000x128xi32>
    %shift_left3A_26 = arith.shli %shift_right_logical3A_24, %shift_left3A_25 : vector<1000x128xi32>
    %or3A = arith.ori %shift_left3A_26, %shift_right_logical3A_17 : vector<1000x128xi32>
    %swap3A = arith.constant 0 : index
    %swap3A_27 = arith.constant 0 : index
    %swap3A_28 = vector.load %arg5[%swap3A, %swap3A_27] : memref<1000x128xi32, #tpu.memory_space<vmem>>, vector<1000x128xi32>
    tpu.vector_store %arg5[%swap3A, %swap3A_27], %or3A {strides = array<i32>} : memref<1000x128xi32, #tpu.memory_space<vmem>>, vector<1000x128xi32>,
    return
  }
  func.func @transform_0(%arg0: i32) -> (i32, i32) {
    %c0_i32 = arith.constant 0 : i32
    %c0_i32_0 = arith.constant 0 : i32
    return %arg0, %c0_i32 : i32, i32
  }
  func.func @transform_1(%arg0: i32) -> (i32, i32) {
    %c0_i32 = arith.constant 0 : i32
    %c0_i32_0 = arith.constant 0 : i32
    return %arg0, %c0_i32 : i32, i32
  }
  func.func @transform_2(%arg0: i32) -> (i32, i32) {
    %c0_i32 = arith.constant 0 : i32
    %c0_i32_0 = arith.constant 0 : i32
    %c0_i32_1 = arith.constant 0 : i32
    return %c0_i32, %c0_i32_0 : i32, i32
  }
  func.func @transform_3(%arg0: i32) -> (i32, i32) {
    %c0_i32 = arith.constant 0 : i32
    %c0_i32_0 = arith.constant 0 : i32
    %c0_i32_1 = arith.constant 0 : i32
    return %c0_i32, %c0_i32_0 : i32, i32
  }
  func.func @transform_4(%arg0: i32) -> (i32, i32) {
    %c0_i32 = arith.constant 0 : i32
    %c0_i32_0 = arith.constant 0 : i32
    return %arg0, %c0_i32 : i32, i32
  }
}

module attributes {stable_mosaic.version = 14 : i64} {
  func.func @_main_body(%arg0: i32, %arg1: memref<400x128xf32, #tpu.memory_space<vmem>>, %arg2: memref<400x32x128xf32, #tpu.memory_space<vmem>>, %arg3: memref<400x32x128xi32, #tpu.memory_space<vmem>>, %arg4: memref<400x32xf32, #tpu.memory_space<vmem>>, %arg5: memref<128x128xf32, #tpu.memory_space<vmem>>, %arg6: memref<1x128xf32, #tpu.memory_space<vmem>>, %arg7: memref<128x128xf32, #tpu.memory_space<vmem>>, %arg8: memref<128x128xf32, #tpu.memory_space<vmem>>, %arg9: memref<1x128xf32, #tpu.memory_space<vmem>>, %arg10: memref<128x128xf32, #tpu.memory_space<vmem>>, %arg11: memref<1x128xf32, #tpu.memory_space<vmem>>, %arg12: memref<128x512xf32, #tpu.memory_space<vmem>>, %arg13: memref<1x512xf32, #tpu.memory_space<vmem>>, %arg14: memref<512x128xf32, #tpu.memory_space<vmem>>, %arg15: memref<1x128xf32, #tpu.memory_space<vmem>>, %arg16: memref<1x128xf32, #tpu.memory_space<vmem>>, %arg17: memref<1x128xf32, #tpu.memory_space<vmem>>, %arg18: memref<1x128xf32, #tpu.memory_space<vmem>>, %arg19: memref<1x128xf32, #tpu.memory_space<vmem>>, %arg20: memref<400x128xf32, #tpu.memory_space<vmem>>) attributes {dimension_semantics = [#tpu.dimension_semantics<arbitrary>], iteration_bounds = array<i64: 25>, scalar_prefetch = 0 : i64, scratch_operands = 0 : i64, tpu.core_type = #tpu.core_type<tc>, window_params = [{transform_indices = @transform_0, window_bounds = array<i64: 400, 128>}, {transform_indices = @transform_1, window_bounds = array<i64: 400, 32, 128>}, {transform_indices = @transform_2, window_bounds = array<i64: 400, 32, 128>}, {transform_indices = @transform_3, window_bounds = array<i64: 400, 32>}, {pipeline_mode = #tpu.pipeline_mode<synchronous>, transform_indices = @transform_4, window_bounds = array<i64: 128, 128>}, {pipeline_mode = #tpu.pipeline_mode<synchronous>, transform_indices = @transform_5, window_bounds = array<i64: 1, 128>}, {pipeline_mode = #tpu.pipeline_mode<synchronous>, transform_indices = @transform_6, window_bounds = array<i64: 128, 128>}, {pipeline_mode = #tpu.pipeline_mode<synchronous>, transform_indices = @transform_7, window_bounds = array<i64: 128, 128>}, {pipeline_mode = #tpu.pipeline_mode<synchronous>, transform_indices = @transform_8, window_bounds = array<i64: 1, 128>}, {pipeline_mode = #tpu.pipeline_mode<synchronous>, transform_indices = @transform_9, window_bounds = array<i64: 128, 128>}, {pipeline_mode = #tpu.pipeline_mode<synchronous>, transform_indices = @transform_10, window_bounds = array<i64: 1, 128>}, {pipeline_mode = #tpu.pipeline_mode<synchronous>, transform_indices = @transform_11, window_bounds = array<i64: 128, 512>}, {pipeline_mode = #tpu.pipeline_mode<synchronous>, transform_indices = @transform_12, window_bounds = array<i64: 1, 512>}, {pipeline_mode = #tpu.pipeline_mode<synchronous>, transform_indices = @transform_13, window_bounds = array<i64: 512, 128>}, {pipeline_mode = #tpu.pipeline_mode<synchronous>, transform_indices = @transform_14, window_bounds = array<i64: 1, 128>}, {pipeline_mode = #tpu.pipeline_mode<synchronous>, transform_indices = @transform_15, window_bounds = array<i64: 1, 128>}, {pipeline_mode = #tpu.pipeline_mode<synchronous>, transform_indices = @transform_16, window_bounds = array<i64: 1, 128>}, {pipeline_mode = #tpu.pipeline_mode<synchronous>, transform_indices = @transform_17, window_bounds = array<i64: 1, 128>}, {pipeline_mode = #tpu.pipeline_mode<synchronous>, transform_indices = @transform_18, window_bounds = array<i64: 1, 128>}, {transform_indices = @transform_19, window_bounds = array<i64: 400, 128>}]} {
    %get3A = arith.constant 0 : index
    %get3A_0 = arith.constant 0 : index
    %get3A_1 = vector.load %arg1[%get3A, %get3A_0] : memref<400x128xf32, #tpu.memory_space<vmem>>, vector<400x128xf32>
    %get3A_2 = arith.constant 0 : index
    %get3A_3 = arith.constant 0 : index
    %get3A_4 = vector.load %arg5[%get3A_2, %get3A_3] : memref<128x128xf32, #tpu.memory_space<vmem>>, vector<128x128xf32>
    %dot_general3A = arith.constant dense<0.000000e+00> : vector<400x128xf32>
    %dot_general3A_5 = tpu.matmul %get3A_1, %get3A_4, %dot_general3A {dimension_numbers = #tpu.dot_dimension_numbers<[1], [0], [0], [1], [0, 0, 1, 1], [], []>, transpose_lhs_hint = false} : vector<400x128xf32>, vector<128x128xf32>, vector<400x128xf32> -> vector<400x128xf32>
    %get3A_6 = arith.constant 0 : index
    %get3A_7 = arith.constant 0 : index
    %get3A_8 = vector.load %arg6[%get3A_6, %get3A_7] : memref<1x128xf32, #tpu.memory_space<vmem>>, vector<1x128xf32>
    %add3A = vector.broadcast %get3A_8 : vector<1x128xf32> to vector<400x128xf32>
    %add3A_9 = arith.addf %dot_general3A_5, %add3A : vector<400x128xf32>
    %get3A_10 = arith.constant 0 : index
    %get3A_11 = arith.constant 0 : index
    %get3A_12 = arith.constant 0 : index
    %get3A_13 = vector.load %arg2[%get3A_10, %get3A_11, %get3A_12] : memref<400x32x128xf32, #tpu.memory_space<vmem>>, vector<400x32x128xf32>
    %reshape3A = vector.shape_cast %get3A_13 : vector<400x32x128xf32> to vector<12800x128xf32>
    %get3A_14 = arith.constant 0 : index
    %get3A_15 = arith.constant 0 : index
    %get3A_16 = vector.load %arg7[%get3A_14, %get3A_15] : memref<128x128xf32, #tpu.memory_space<vmem>>, vector<128x128xf32>
    %dot_general3A_17 = arith.constant dense<0.000000e+00> : vector<12800x128xf32>
    %dot_general3A_18 = tpu.matmul %reshape3A, %get3A_16, %dot_general3A_17 {dimension_numbers = #tpu.dot_dimension_numbers<[1], [0], [0], [1], [0, 0, 1, 1], [], []>, transpose_lhs_hint = false} : vector<12800x128xf32>, vector<128x128xf32>, vector<12800x128xf32> -> vector<12800x128xf32>
    %reshape3A_19 = vector.shape_cast %dot_general3A_18 : vector<12800x128xf32> to vector<400x32x128xf32>
    %get3A_20 = arith.constant 0 : index
    %get3A_21 = arith.constant 0 : index
    %get3A_22 = arith.constant 0 : index
    %get3A_23 = vector.load %arg3[%get3A_20, %get3A_21, %get3A_22] : memref<400x32x128xi32, #tpu.memory_space<vmem>>, vector<400x32x128xi32>
    %shift_left3A = arith.constant 16 : i32
    %shift_left3A_24 = vector.broadcast %shift_left3A : i32 to vector<400x32x128xi32>
    %shift_left3A_25 = arith.shli %get3A_23, %shift_left3A_24 : vector<400x32x128xi32>
    %bitcast_convert_type3A = tpu.bitcast %shift_left3A_25 : vector<400x32x128xi32> -> vector<400x32x128xf32>
    %bitcast_convert_type3A_26 = tpu.bitcast %get3A_23 : vector<400x32x128xi32> -> vector<400x32x128xf32>
    %get3A_27 = arith.constant 0 : index
    %get3A_28 = arith.constant 0 : index
    %get3A_29 = vector.load %arg4[%get3A_27, %get3A_28] : memref<400x32xf32, #tpu.memory_space<vmem>>, vector<400x32xf32>
    %broadcast_in_dim3A = vector.shape_cast %get3A_29 : vector<400x32xf32> to vector<400x32x1xf32>
    %broadcast_in_dim3A_30 = vector.broadcast %broadcast_in_dim3A : vector<400x32x1xf32> to vector<400x32x128xf32>
    %broadcast_in_dim3A_31 = vector.shape_cast %add3A_9 : vector<400x128xf32> to vector<400x1x128xf32>
    %add3A_32 = vector.broadcast %broadcast_in_dim3A_31 : vector<400x1x128xf32> to vector<400x32x128xf32>
    %add3A_33 = arith.addf %reshape3A_19, %add3A_32 : vector<400x32x128xf32>
    %add3A_34 = arith.addf %add3A_33, %bitcast_convert_type3A : vector<400x32x128xf32>
    %mul3A = arith.mulf %broadcast_in_dim3A_30, %bitcast_convert_type3A_26 : vector<400x32x128xf32>
    %add3A_35 = arith.addf %add3A_34, %mul3A : vector<400x32x128xf32>
    %mul3A_36 = arith.constant 0.707106769 : f32
    %mul3A_37 = vector.broadcast %mul3A_36 : f32 to vector<400x32x128xf32>
    %mul3A_38 = arith.mulf %add3A_35, %mul3A_37 : vector<400x32x128xf32>
    %erf3A = math.erf %mul3A_38 : vector<400x32x128xf32>
    %mul3A_39 = arith.mulf %add3A_35, %erf3A : vector<400x32x128xf32>
    %add3A_40 = arith.addf %mul3A_39, %add3A_35 : vector<400x32x128xf32>
    %reshape3A_41 = vector.shape_cast %add3A_40 : vector<400x32x128xf32> to vector<12800x128xf32>
    %get3A_42 = arith.constant 0 : index
    %get3A_43 = arith.constant 0 : index
    %get3A_44 = vector.load %arg8[%get3A_42, %get3A_43] : memref<128x128xf32, #tpu.memory_space<vmem>>, vector<128x128xf32>
    %dot_general3A_45 = arith.constant dense<0.000000e+00> : vector<12800x128xf32>
    %dot_general3A_46 = tpu.matmul %reshape3A_41, %get3A_44, %dot_general3A_45 {dimension_numbers = #tpu.dot_dimension_numbers<[1], [0], [0], [1], [0, 0, 1, 1], [], []>, transpose_lhs_hint = false} : vector<12800x128xf32>, vector<128x128xf32>, vector<12800x128xf32> -> vector<12800x128xf32>
    %get3A_47 = arith.constant 0 : index
    %get3A_48 = arith.constant 0 : index
    %get3A_49 = vector.load %arg9[%get3A_47, %get3A_48] : memref<1x128xf32, #tpu.memory_space<vmem>>, vector<1x128xf32>
    %add3A_50 = vector.broadcast %get3A_49 : vector<1x128xf32> to vector<12800x128xf32>
    %add3A_51 = arith.addf %dot_general3A_46, %add3A_50 : vector<12800x128xf32>
    %mul3A_52 = arith.constant 0.707106769 : f32
    %mul3A_53 = vector.broadcast %mul3A_52 : f32 to vector<12800x128xf32>
    %mul3A_54 = arith.mulf %add3A_51, %mul3A_53 : vector<12800x128xf32>
    %erf3A_55 = math.erf %mul3A_54 : vector<12800x128xf32>
    %mul3A_56 = arith.mulf %add3A_51, %erf3A_55 : vector<12800x128xf32>
    %add3A_57 = arith.addf %mul3A_56, %add3A_51 : vector<12800x128xf32>
    %reshape3A_58 = vector.shape_cast %add3A_57 : vector<12800x128xf32> to vector<400x32x128xf32>
    %reduce_sum3A = arith.constant dense<0.000000e+00> : vector<400x128xf32>
    %reduce_sum3A_59 = vector.multi_reduction <add>, %reshape3A_58, %reduce_sum3A [1] : vector<400x32x128xf32> to vector<400x128xf32>
    %get3A_60 = arith.constant 0 : index
    %get3A_61 = arith.constant 0 : index
    %get3A_62 = vector.load %arg10[%get3A_60, %get3A_61] : memref<128x128xf32, #tpu.memory_space<vmem>>, vector<128x128xf32>
    %dot_general3A_63 = arith.constant dense<0.000000e+00> : vector<400x128xf32>
    %dot_general3A_64 = tpu.matmul %reduce_sum3A_59, %get3A_62, %dot_general3A_63 {dimension_numbers = #tpu.dot_dimension_numbers<[1], [0], [0], [1], [0, 0, 1, 1], [], []>, transpose_lhs_hint = false} : vector<400x128xf32>, vector<128x128xf32>, vector<400x128xf32> -> vector<400x128xf32>
    %get3A_65 = arith.constant 0 : index
    %get3A_66 = arith.constant 0 : index
    %get3A_67 = vector.load %arg11[%get3A_65, %get3A_66] : memref<1x128xf32, #tpu.memory_space<vmem>>, vector<1x128xf32>
    %mul3A_68 = arith.constant 3.200000e+01 : f32
    %mul3A_69 = vector.broadcast %mul3A_68 : f32 to vector<1x128xf32>
    %mul3A_70 = arith.mulf %mul3A_69, %get3A_67 : vector<1x128xf32>
    %add3A_71 = vector.broadcast %mul3A_70 : vector<1x128xf32> to vector<400x128xf32>
    %add3A_72 = arith.addf %dot_general3A_64, %add3A_71 : vector<400x128xf32>
    %add3A_73 = arith.addf %get3A_1, %add3A_72 : vector<400x128xf32>
    %get3A_74 = arith.constant 0 : index
    %get3A_75 = arith.constant 0 : index
    %get3A_76 = vector.load %arg16[%get3A_74, %get3A_75] : memref<1x128xf32, #tpu.memory_space<vmem>>, vector<1x128xf32>
    %get3A_77 = arith.constant 0 : index
    %get3A_78 = arith.constant 0 : index
    %get3A_79 = vector.load %arg17[%get3A_77, %get3A_78] : memref<1x128xf32, #tpu.memory_space<vmem>>, vector<1x128xf32>
    %reduce_sum3A_80 = arith.constant dense<0.000000e+00> : vector<400xf32>
    %reduce_sum3A_81 = vector.multi_reduction <add>, %add3A_73, %reduce_sum3A_80 [1] : vector<400x128xf32> to vector<400xf32>
    %broadcast_in_dim3A_82 = vector.shape_cast %reduce_sum3A_81 : vector<400xf32> to vector<400x1xf32>
    %div3A = arith.constant 1.280000e+02 : f32
    %div3A_83 = vector.broadcast %div3A : f32 to vector<400x1xf32>
    %div3A_84 = arith.divf %broadcast_in_dim3A_82, %div3A_83 : vector<400x1xf32>
    %sub3A = vector.broadcast %div3A_84 : vector<400x1xf32> to vector<400x128xf32>
    %sub3A_85 = arith.subf %add3A_73, %sub3A : vector<400x128xf32>
    %integer_pow3A = arith.mulf %sub3A_85, %sub3A_85 : vector<400x128xf32>
    %reduce_sum3A_86 = arith.constant dense<0.000000e+00> : vector<400xf32>
    %reduce_sum3A_87 = vector.multi_reduction <add>, %integer_pow3A, %reduce_sum3A_86 [1] : vector<400x128xf32> to vector<400xf32>
    %broadcast_in_dim3A_88 = vector.shape_cast %reduce_sum3A_87 : vector<400xf32> to vector<400x1xf32>
    %div3A_89 = arith.constant 1.280000e+02 : f32
    %div3A_90 = vector.broadcast %div3A_89 : f32 to vector<400x1xf32>
    %div3A_91 = arith.divf %broadcast_in_dim3A_88, %div3A_90 : vector<400x1xf32>
    %sub3A_92 = vector.broadcast %div3A_84 : vector<400x1xf32> to vector<400x128xf32>
    %sub3A_93 = arith.subf %add3A_73, %sub3A_92 : vector<400x128xf32>
    %add3A_94 = arith.constant 9.99999974E-6 : f32
    %add3A_95 = vector.broadcast %add3A_94 : f32 to vector<400x1xf32>
    %add3A_96 = arith.addf %div3A_91, %add3A_95 : vector<400x1xf32>
    %sqrt3A = math.sqrt %add3A_96 : vector<400x1xf32>
    %div3A_97 = vector.broadcast %sqrt3A : vector<400x1xf32> to vector<400x128xf32>
    %div3A_98 = arith.divf %sub3A_93, %div3A_97 : vector<400x128xf32>
    %mul3A_99 = vector.broadcast %get3A_76 : vector<1x128xf32> to vector<400x128xf32>
    %mul3A_100 = arith.mulf %div3A_98, %mul3A_99 : vector<400x128xf32>
    %add3A_101 = vector.broadcast %get3A_79 : vector<1x128xf32> to vector<400x128xf32>
    %add3A_102 = arith.addf %mul3A_100, %add3A_101 : vector<400x128xf32>
    %get3A_103 = arith.constant 0 : index
    %get3A_104 = arith.constant 0 : index
    %get3A_105 = vector.load %arg12[%get3A_103, %get3A_104] : memref<128x512xf32, #tpu.memory_space<vmem>>, vector<128x512xf32>
    %dot_general3A_106 = arith.constant dense<0.000000e+00> : vector<400x512xf32>
    %dot_general3A_107 = tpu.matmul %add3A_102, %get3A_105, %dot_general3A_106 {dimension_numbers = #tpu.dot_dimension_numbers<[1], [0], [0], [1], [0, 0, 1, 1], [], []>, transpose_lhs_hint = false} : vector<400x128xf32>, vector<128x512xf32>, vector<400x512xf32> -> vector<400x512xf32>
    %get3A_108 = arith.constant 0 : index
    %get3A_109 = arith.constant 0 : index
    %get3A_110 = vector.load %arg13[%get3A_108, %get3A_109] : memref<1x512xf32, #tpu.memory_space<vmem>>, vector<1x512xf32>
    %add3A_111 = vector.broadcast %get3A_110 : vector<1x512xf32> to vector<400x512xf32>
    %add3A_112 = arith.addf %dot_general3A_107, %add3A_111 : vector<400x512xf32>
    %mul3A_113 = arith.constant 0.707106769 : f32
    %mul3A_114 = vector.broadcast %mul3A_113 : f32 to vector<400x512xf32>
    %mul3A_115 = arith.mulf %add3A_112, %mul3A_114 : vector<400x512xf32>
    %erf3A_116 = math.erf %mul3A_115 : vector<400x512xf32>
    %mul3A_117 = arith.mulf %add3A_112, %erf3A_116 : vector<400x512xf32>
    %add3A_118 = arith.addf %mul3A_117, %add3A_112 : vector<400x512xf32>
    %get3A_119 = arith.constant 0 : index
    %get3A_120 = arith.constant 0 : index
    %get3A_121 = vector.load %arg14[%get3A_119, %get3A_120] : memref<512x128xf32, #tpu.memory_space<vmem>>, vector<512x128xf32>
    %dot_general3A_122 = arith.constant dense<0.000000e+00> : vector<400x128xf32>
    %dot_general3A_123 = tpu.matmul %add3A_118, %get3A_121, %dot_general3A_122 {dimension_numbers = #tpu.dot_dimension_numbers<[1], [0], [0], [1], [0, 0, 1, 1], [], []>, transpose_lhs_hint = false} : vector<400x512xf32>, vector<512x128xf32>, vector<400x128xf32> -> vector<400x128xf32>
    %get3A_124 = arith.constant 0 : index
    %get3A_125 = arith.constant 0 : index
    %get3A_126 = vector.load %arg15[%get3A_124, %get3A_125] : memref<1x128xf32, #tpu.memory_space<vmem>>, vector<1x128xf32>
    %add3A_127 = vector.broadcast %get3A_126 : vector<1x128xf32> to vector<400x128xf32>
    %add3A_128 = arith.addf %dot_general3A_123, %add3A_127 : vector<400x128xf32>
    %add3A_129 = arith.addf %add3A_102, %add3A_128 : vector<400x128xf32>
    %get3A_130 = arith.constant 0 : index
    %get3A_131 = arith.constant 0 : index
    %get3A_132 = vector.load %arg18[%get3A_130, %get3A_131] : memref<1x128xf32, #tpu.memory_space<vmem>>, vector<1x128xf32>
    %get3A_133 = arith.constant 0 : index
    %get3A_134 = arith.constant 0 : index
    %get3A_135 = vector.load %arg19[%get3A_133, %get3A_134] : memref<1x128xf32, #tpu.memory_space<vmem>>, vector<1x128xf32>
    %reduce_sum3A_136 = arith.constant dense<0.000000e+00> : vector<400xf32>
    %reduce_sum3A_137 = vector.multi_reduction <add>, %add3A_129, %reduce_sum3A_136 [1] : vector<400x128xf32> to vector<400xf32>
    %broadcast_in_dim3A_138 = vector.shape_cast %reduce_sum3A_137 : vector<400xf32> to vector<400x1xf32>
    %div3A_139 = arith.constant 1.280000e+02 : f32
    %div3A_140 = vector.broadcast %div3A_139 : f32 to vector<400x1xf32>
    %div3A_141 = arith.divf %broadcast_in_dim3A_138, %div3A_140 : vector<400x1xf32>
    %sub3A_142 = vector.broadcast %div3A_141 : vector<400x1xf32> to vector<400x128xf32>
    %sub3A_143 = arith.subf %add3A_129, %sub3A_142 : vector<400x128xf32>
    %integer_pow3A_144 = arith.mulf %sub3A_143, %sub3A_143 : vector<400x128xf32>
    %reduce_sum3A_145 = arith.constant dense<0.000000e+00> : vector<400xf32>
    %reduce_sum3A_146 = vector.multi_reduction <add>, %integer_pow3A_144, %reduce_sum3A_145 [1] : vector<400x128xf32> to vector<400xf32>
    %broadcast_in_dim3A_147 = vector.shape_cast %reduce_sum3A_146 : vector<400xf32> to vector<400x1xf32>
    %div3A_148 = arith.constant 1.280000e+02 : f32
    %div3A_149 = vector.broadcast %div3A_148 : f32 to vector<400x1xf32>
    %div3A_150 = arith.divf %broadcast_in_dim3A_147, %div3A_149 : vector<400x1xf32>
    %sub3A_151 = vector.broadcast %div3A_141 : vector<400x1xf32> to vector<400x128xf32>
    %sub3A_152 = arith.subf %add3A_129, %sub3A_151 : vector<400x128xf32>
    %add3A_153 = arith.constant 9.99999974E-6 : f32
    %add3A_154 = vector.broadcast %add3A_153 : f32 to vector<400x1xf32>
    %add3A_155 = arith.addf %div3A_150, %add3A_154 : vector<400x1xf32>
    %sqrt3A_156 = math.sqrt %add3A_155 : vector<400x1xf32>
    %div3A_157 = vector.broadcast %sqrt3A_156 : vector<400x1xf32> to vector<400x128xf32>
    %div3A_158 = arith.divf %sub3A_152, %div3A_157 : vector<400x128xf32>
    %mul3A_159 = vector.broadcast %get3A_132 : vector<1x128xf32> to vector<400x128xf32>
    %mul3A_160 = arith.mulf %div3A_158, %mul3A_159 : vector<400x128xf32>
    %add3A_161 = vector.broadcast %get3A_135 : vector<1x128xf32> to vector<400x128xf32>
    %add3A_162 = arith.addf %mul3A_160, %add3A_161 : vector<400x128xf32>
    %swap3A = arith.constant 0 : index
    %swap3A_163 = arith.constant 0 : index
    %swap3A_164 = vector.load %arg20[%swap3A, %swap3A_163] : memref<400x128xf32, #tpu.memory_space<vmem>>, vector<400x128xf32>
    tpu.vector_store %arg20[%swap3A, %swap3A_163], %add3A_162 {strides = array<i32>} : memref<400x128xf32, #tpu.memory_space<vmem>>, vector<400x128xf32>,
    return
  }
  func.func @transform_0(%arg0: i32) -> (i32, i32) {
    %c0_i32 = arith.constant 0 : i32
    %c0_i32_0 = arith.constant 0 : i32
    return %arg0, %c0_i32 : i32, i32
  }
  func.func @transform_1(%arg0: i32) -> (i32, i32, i32) {
    %c0_i32 = arith.constant 0 : i32
    %c0_i32_0 = arith.constant 0 : i32
    %c0_i32_1 = arith.constant 0 : i32
    return %arg0, %c0_i32, %c0_i32_0 : i32, i32, i32
  }
  func.func @transform_2(%arg0: i32) -> (i32, i32, i32) {
    %c0_i32 = arith.constant 0 : i32
    %c0_i32_0 = arith.constant 0 : i32
    %c0_i32_1 = arith.constant 0 : i32
    return %arg0, %c0_i32, %c0_i32_0 : i32, i32, i32
  }
  func.func @transform_3(%arg0: i32) -> (i32, i32) {
    %c0_i32 = arith.constant 0 : i32
    %c0_i32_0 = arith.constant 0 : i32
    return %arg0, %c0_i32 : i32, i32
  }
  func.func @transform_4(%arg0: i32) -> (i32, i32) {
    %c0_i32 = arith.constant 0 : i32
    %c0_i32_0 = arith.constant 0 : i32
    %c0_i32_1 = arith.constant 0 : i32
    return %c0_i32, %c0_i32_0 : i32, i32
  }
  func.func @transform_5(%arg0: i32) -> (i32, i32) {
    %c0_i32 = arith.constant 0 : i32
    %c0_i32_0 = arith.constant 0 : i32
    %c0_i32_1 = arith.constant 0 : i32
    return %c0_i32, %c0_i32_0 : i32, i32
  }
  func.func @transform_6(%arg0: i32) -> (i32, i32) {
    %c0_i32 = arith.constant 0 : i32
    %c0_i32_0 = arith.constant 0 : i32
    %c0_i32_1 = arith.constant 0 : i32
    return %c0_i32, %c0_i32_0 : i32, i32
  }
  func.func @transform_7(%arg0: i32) -> (i32, i32) {
    %c0_i32 = arith.constant 0 : i32
    %c0_i32_0 = arith.constant 0 : i32
    %c0_i32_1 = arith.constant 0 : i32
    return %c0_i32, %c0_i32_0 : i32, i32
  }
  func.func @transform_8(%arg0: i32) -> (i32, i32) {
    %c0_i32 = arith.constant 0 : i32
    %c0_i32_0 = arith.constant 0 : i32
    %c0_i32_1 = arith.constant 0 : i32
    return %c0_i32, %c0_i32_0 : i32, i32
  }
  func.func @transform_9(%arg0: i32) -> (i32, i32) {
    %c0_i32 = arith.constant 0 : i32
    %c0_i32_0 = arith.constant 0 : i32
    %c0_i32_1 = arith.constant 0 : i32
    return %c0_i32, %c0_i32_0 : i32, i32
  }
  func.func @transform_10(%arg0: i32) -> (i32, i32) {
    %c0_i32 = arith.constant 0 : i32
    %c0_i32_0 = arith.constant 0 : i32
    %c0_i32_1 = arith.constant 0 : i32
    return %c0_i32, %c0_i32_0 : i32, i32
  }
  func.func @transform_11(%arg0: i32) -> (i32, i32) {
    %c0_i32 = arith.constant 0 : i32
    %c0_i32_0 = arith.constant 0 : i32
    %c0_i32_1 = arith.constant 0 : i32
    return %c0_i32, %c0_i32_0 : i32, i32
  }
  func.func @transform_12(%arg0: i32) -> (i32, i32) {
    %c0_i32 = arith.constant 0 : i32
    %c0_i32_0 = arith.constant 0 : i32
    %c0_i32_1 = arith.constant 0 : i32
    return %c0_i32, %c0_i32_0 : i32, i32
  }
  func.func @transform_13(%arg0: i32) -> (i32, i32) {
    %c0_i32 = arith.constant 0 : i32
    %c0_i32_0 = arith.constant 0 : i32
    %c0_i32_1 = arith.constant 0 : i32
    return %c0_i32, %c0_i32_0 : i32, i32
  }
  func.func @transform_14(%arg0: i32) -> (i32, i32) {
    %c0_i32 = arith.constant 0 : i32
    %c0_i32_0 = arith.constant 0 : i32
    %c0_i32_1 = arith.constant 0 : i32
    return %c0_i32, %c0_i32_0 : i32, i32
  }
  func.func @transform_15(%arg0: i32) -> (i32, i32) {
    %c0_i32 = arith.constant 0 : i32
    %c0_i32_0 = arith.constant 0 : i32
    %c0_i32_1 = arith.constant 0 : i32
    return %c0_i32, %c0_i32_0 : i32, i32
  }
  func.func @transform_16(%arg0: i32) -> (i32, i32) {
    %c0_i32 = arith.constant 0 : i32
    %c0_i32_0 = arith.constant 0 : i32
    %c0_i32_1 = arith.constant 0 : i32
    return %c0_i32, %c0_i32_0 : i32, i32
  }
  func.func @transform_17(%arg0: i32) -> (i32, i32) {
    %c0_i32 = arith.constant 0 : i32
    %c0_i32_0 = arith.constant 0 : i32
    %c0_i32_1 = arith.constant 0 : i32
    return %c0_i32, %c0_i32_0 : i32, i32
  }
  func.func @transform_18(%arg0: i32) -> (i32, i32) {
    %c0_i32 = arith.constant 0 : i32
    %c0_i32_0 = arith.constant 0 : i32
    %c0_i32_1 = arith.constant 0 : i32
    return %c0_i32, %c0_i32_0 : i32, i32
  }
  func.func @transform_19(%arg0: i32) -> (i32, i32) {
    %c0_i32 = arith.constant 0 : i32
    %c0_i32_0 = arith.constant 0 : i32
    return %arg0, %c0_i32 : i32, i32
  }
}

</mosaic_0001>

<sc_bundles>
// kernel: kernel.5.cloned.1.call-start
scs
__scs_entry_jumppad:
0x0: {  	(pc) =	sbr.rel $0x88, $3  }
0x1: {  	(tag) =	ssettag $0x0;
	lr =	simm.s32 $0x1  }
0x2: {  	[smem:$0x3F8E] =	sst lr;
	_ =	strace $0xD0000000  }
0x3: {  	_ = 	snop  }
0x4: {  	_ = 	snop  }
0x5: {  	_ = 	snop  }
0x6: {  	_ = 	snop  }
0x7: {  	_ = 	snop  }
__scs_overlays_trampoline_lowered:
0x8: {  	[smem:$0x3F9D] =	sst s0  }
0x9: {  	[smem:$0x3F9E] =	sst s1  }
0xa: {  	[smem:$0x3F9F] =	sst s2  }
0xb: {  	[smem:$0x3FA0] =	sst s3  }
0xc: {  	[smem:$0x3FA1] =	sst s4  }
0xd: {  	[smem:$0x3FA2] =	sst s5  }
0xe: {  	[smem:$0x3FA3] =	sst s6  }
0xf: {  	[smem:$0x3FA4] =	sst s7  }
0x10: {  	[smem:$0x3FA5] =	sst s8  }
0x11: {  	[smem:$0x3FA6] =	sst s9;
	s0 =	simm.s32 @!p0 $0x0  }
0x12: {  	s1 =	sld [smem:$0x3F8C];
	s0 =	simm.s32 @p0 $0x1  }
0x13: {  	[smem:$0x3FA7] =	sst s0;
	s0 =	simm.s32 @!p1 $0x0  }
0x14: {  	s2 =	sld [smem:$0x3F8B];
	s0 =	simm.s32 @p1 $0x1  }
0x15: {  	[smem:$0x3FA8] =	sst s0;
	s0 =	simm.s32 @!p2 $0x0  }
0x16: {  	s3 =	sld [smem:$0x3FDB];
	s0 =	simm.s32 @p2 $0x1  }
0x17: {  	s4 =	simm.s32 $0x1BF5;
	[smem:$0x3FAA] =	sst s0  }
0x18: {  	s0 =	sld [smem:$0x3F8D];
	_ =	swait.ge [sflag:s4], $0x0  }
0x19: {  	s7 =	sld [smem:$0x3F8E]  }
0x1a: {  	s8 =	sadd.s32 $0xFFFFE003, lr  }
0x1b: {  	s9 =	sadd.s32 $0xFFFFFEF7, lr;
	s5 =	simm.s32 $0xFFFFFFFF;
	p2 =	slt.u32 s8, $0xFFFFF086  }
0x1c: {  	p1 =	slt.u32 s9, $0xF7A;
	s5 =	simm.s32 @!p2 $0x0  }
0x1d: {  	s5 =	simm.s32 @p1 $0x1;
	p0 =	seq.s32 s7, s2  }
0x1e: {  	s7 =	smul.u32 @!p0 $0xF7A, s2;
	p2 =	seq.s32 @!p0 s5, $0x0  }
0x1f: {  	s9 =	smul.u32 $0xF7A, s1;
	s8 =	simm.s32 @!p0 $0x1BF5;
	p2 =	por !p2, p0  }
0x20: {  	[sflag:s8] =	ssyncset.s32 @!p0 $0xFFFFF086;
	s6 =	sadd.s32 @!p0 s3, s7;
	s7 =	simm.s32 @!p0 $0x108  }
0x21: {  	s3 =	sadd.s32 s3, s9;
	s6 =	sadd.s32 @!p0 $0x88, s6;
	s7 =	simm.s32 @p2 $0x1082  }
0x22: {  	[simem:s7], [sflag:s8] =	dma.local @!p0 [hbm:s6], $0xF7A  }
0x23: {  	s9 =	sor.u32 $0xD0000000, s2;
	s6 =	simm.s32 $0x108;
	_ =	swait.ge @!p0 [sflag:s8], $0x0  }
0x24: {  	s3 =	sadd.s32 $0x88, s3;
	s6 =	simm.s32 @!p1 $0x1082;
	[sflag:s4] =	ssyncset.s32 $0xFFFFF086  }
0x25: {  	[simem:s6], [sflag:s4] =	dma.local [hbm:s3], $0xF7A  }
0x26: {  	[smem:$0x3F8E] =	sst s1;
	(tag) =	ssettag s2;
	_ =	strace s9  }
0x27: {  	s1 =	sld [smem:$0x3F9E]  }
0x28: {  	s2 =	sld [smem:$0x3F9F]  }
0x29: {  	s4 =	sld [smem:$0x3FA1]  }
0x2a: {  	p0 =	seq.s32 s5, $0x0;
	s5 =	sld [smem:$0x3FA2]  }
0x2b: {  	s6 =	sld [smem:$0x3FA3]  }
0x2c: {  	s7 =	sld [smem:$0x3FA4]  }
0x2d: {  	s3 =	simm.s32 $0x108;
	s8 =	sld [smem:$0x3FA5]  }
0x2e: {  	s3 =	simm.s32 @!p0 $0x1082;
	s9 =	sld [smem:$0x3FA6]  }
0x2f: {  	lr =	sadd.s32 s0, s3;
	s0 =	sld [smem:$0x3F9D]  }
0x30: {  	s3 =	sld [smem:$0x3FA0]  }
0x31: {  	[smem:$0x3FA9] =	sst s10  }
0x32: {  	s10 =	sld [smem:$0x3FA7];
	_ =	sdelay $0x3  }
0x33: {  	p0 =	seq.s32 s10, $0x1;
	s10 =	sld [smem:$0x3FA9];
	_ =	sdelay $0x3  }
0x34: {  	[smem:$0x3FA9] =	sst s10  }
0x35: {  	s10 =	sld [smem:$0x3FA8];
	_ =	sdelay $0x3  }
0x36: {  	p1 =	seq.s32 s10, $0x1;
	s10 =	sld [smem:$0x3FA9];
	_ =	sdelay $0x3  }
0x37: {  	[smem:$0x3FA9] =	sst s10  }
0x38: {  	s10 =	sld [smem:$0x3FAA]  }
0x39: {  	_ = 	snop;
	(pc) =	sbr.ind lr, $3  }
0x3a: {  	_ = 	snop  }
0x3b: {  	_ = 	snop  }
0x3c: {  	p2 =	seq.s32 s10, $0x1;
	s10 =	sld [smem:$0x3FA9]  }
0x3d: {  	_ =	shalt  }
0x3e: {  	_ =	shalt  }
0x3f: {  	_ =	shalt  }
0x40: {  	_ =	shalt  }
0x41: {  	_ =	shalt  }
0x42: {  	_ =	shalt  }
0x43: {  	_ =	shalt  }
0x44: {  	_ =	shalt  }
0x45: {  	_ =	shalt  }
0x46: {  	_ =	shalt  }
0x47: {  	_ =	shalt  }
0x48: {  	_ =	shalt  }
0x49: {  	_ =	shalt  }
0x4a: {  	_ =	shalt  }
0x4b: {  	_ =	shalt  }
0x4c: {  	_ =	shalt  }
0x4d: {  	_ =	shalt  }
0x4e: {  	_ =	shalt  }
0x4f: {  	_ =	shalt  }
0x50: {  	_ =	shalt  }
0x51: {  	_ =	shalt  }
0x52: {  	_ =	shalt  }
0x53: {  	_ =	shalt  }
0x54: {  	_ =	shalt  }
0x55: {  	_ =	shalt  }
0x56: {  	_ =	shalt  }
0x57: {  	_ =	shalt  }
0x58: {  	_ =	shalt  }
0x59: {  	_ =	shalt  }
0x5a: {  	_ =	shalt  }
0x5b: {  	_ =	shalt  }
0x5c: {  	_ =	shalt  }
0x5d: {  	_ =	shalt  }
0x5e: {  	_ =	shalt  }
0x5f: {  	_ =	shalt  }
0x60: {  	_ =	shalt  }
0x61: {  	_ =	shalt  }
0x62: {  	_ =	shalt  }
0x63: {  	_ =	shalt  }
0x64: {  	_ =	shalt  }
0x65: {  	_ =	shalt  }
0x66: {  	_ =	shalt  }
0x67: {  	_ =	shalt  }
0x68: {  	_ =	shalt  }
0x69: {  	_ =	shalt  }
0x6a: {  	_ =	shalt  }
0x6b: {  	_ =	shalt  }
0x6c: {  	_ =	shalt  }
0x6d: {  	_ =	shalt  }
0x6e: {  	_ =	shalt  }
0x6f: {  	_ =	shalt  }
0x70: {  	_ =	shalt  }
0x71: {  	_ =	shalt  }
0x72: {  	_ =	shalt  }
0x73: {  	_ =	shalt  }
0x74: {  	_ =	shalt  }
0x75: {  	_ =	shalt  }
0x76: {  	_ =	shalt  }
0x77: {  	_ =	shalt  }
0x78: {  	_ =	shalt  }
0x79: {  	_ =	shalt  }
0x7a: {  	_ =	shalt  }
0x7b: {  	_ =	shalt  }
0x7c: {  	_ =	shalt  }
0x7d: {  	_ =	shalt  }
0x7e: {  	_ =	shalt  }
0x7f: {  	_ =	shalt  }
0x80: {  	_ =	shalt  }
0x81: {  	_ =	shalt  }
0x82: {  	_ =	shalt  }
0x83: {  	_ =	shalt  }
0x84: {  	_ =	shalt  }
0x85: {  	_ =	shalt  }
0x86: {  	_ =	shalt  }
0x87: {  	_ =	shalt  }
.Lfunc_end0:
.L_simem_size_0:
called_computation_lowered:
.L_overlay_start_0:
0x88: {  	s2 =	sld [smem:$0x3FD9]  }
0x89: {  	s3 =	sld [smem:$0x3FFE];
	_ =	sdelay $0x1  }
0x8a: {  	s1 =	srdreg.scid  }
0x8b: {  	s0 =	sand.u32 $0x1, s1  }
0x8c: {  	s17 =	sshll.u32 s0, $0xA;
	s2 =	sadd.s32 s3, s2  }
0x8d: {  	s2 =	sadd.s32 s2, s17  }
0x8e: {  	[smem:$0x3FB5] =	sst s2  }
0x8f: {  	_ = 	snop  }
0x90: {  	s2 =	sld [smem:$0x3FD0];
	(tm) =	ssettm $0x1  }
0x91: {  	s18 =	sld [smem:$0x3FFB];
	_ =	sdelay $0x3  }
0x92: {  	_ =	strace s18  }
0x93: {  	s3 =	sld [smem:$0x3FFC];
	_ =	sdelay $0x3  }
0x94: {  	_ =	strace s3  }
0x95: {  	s3 =	sld [smem:$0x3FFD];
	_ =	sdelay $0x3  }
0x96: {  	_ =	strace s3  }
0x97: {  	_ =	strace $0x8FFFFFFF  }
0x98: {  	s19 =	sld [smem:$0x3FDB];
	_ =	sdelay $0x1  }
0x99: {  	s4 =	simm.s32 $_scs_section_size  }
0x9a: {  	s5 =	simm.s32 $_size__tile_overlayer_lowered;
	s6 =	simm.s32 $_tile_overlayer_lowered  }
0x9b: {  	s22 =	simm.s32 $0x1BFF;
	s21 =	sshll.u32 s6, $0x1;
	s3 =	sadd.s32 s4, s19  }
0x9c: {  	s7 =	simm.s32 $0x0;
	s20 =	sshll.u32 s5, $0x1;
	s5 =	sadd.s32 s21, s3  }
0x9d: {  	[timem:s7], [sflag:s22] =	dma.local [hbm:s5], s20  }
0x9e: {  	_ =	swait.ge [sflag:s22], s20  }
0x9f: {  	s4 =	ssub.s32 $0x0, s20;
	[sflag:s22] =	ssyncset.done $0x0  }
0xa0: {  	[sflag:s22] =	ssyncadd.s32 s4;
	_ =	sdelay $0x1  }
0xa1: {  	s23 =	simm.s32 $0x1B8B  }
0xa2: {  	_ =	swait.ge [sflag:s23], $0x1  }
0xa3: {  	[sflag:s23] =	ssyncset.done $0x0  }
0xa4: {  	s25 =	simm.s32 $0x1B8E;
	s24 =	sld [smem:$0x3FFE];
	[sflag:s23] =	ssyncadd.s32 $0xFFFFFFFF  }
0xa5: {  	s26 =	simm.s32 $execute0_lowered;
	[smem:$0x3FD2] =	sst s25  }
0xa6: {  	s5 =	sshll.u32 s26, $0x1;
	_ =	strace $0x80000046;
	[dreg:$0x1] =	wrdreg $0xFFFFFFFF  }
0xa7: {  	s28 =	simm.s32 $_size_execute0_lowered;
	s3 =	sadd.s32 s3, s5;
	[dreg:$0x0] =	wrdreg $0x0  }
0xa8: {  	s5 =	sshll.u32 s28, $0x1;
	[dreg:$0x2] =	wrdreg s3  }
0xa9: {  	[dreg:$0x3] =	wrdreg s5  }
0xaa: {  	[dreg:$0x4] =	wrdreg $0xC0  }
0xab: {  	_ =	task [dreg:s7], $0x5FFFF  }
0xac: {  	[dreg:$0x1] =	wrdreg $0xFFFFFFFF  }
0xad: {  	[dreg:$0x0] =	wrdreg $0x60  }
0xae: {  	[dreg:$0x2] =	wrdreg s2  }
0xaf: {  	[dreg:$0x3] =	wrdreg s24  }
0xb0: {  	[dreg:$0x4] =	wrdreg $0x9  }
0xb1: {  	_ =	task.clear_ibuf [dreg:s7], $0x5FFFF;
	_ =	strace $0x90000046  }
0xb2: {  	s29 =	simm.s32 $0x9;
	_ =	strace $0x80000048  }
0xb3: {  	_ =	swait.ge [sflag:s29], $0x1  }
0xb4: {  	[sflag:s29] =	ssyncadd.s32 $0xFFFFFFFF  }
0xb5: {  	_ =	strace $0x90000048  }
0xb6: {  	_ =	sfence  }
0xb7: {  	s30 =	sld [smem:$0x0];
	_ =	sdelay $0x2  }
0xb8: {  	s31 =	sshll.u32 s1, $0xD;
	s1 =	sshrl.u32 s1, $0x2  }
0xb9: {  	s3 =	sand.u32 $0x4000, s31;
	s1 =	sadd.s32 s1, s30  }
0xba: {  	s0 =	sor.u32 s3, s0;
	s1 =	sshll.u32 s1, $0x11  }
0xbb: {  	s0 =	sor.u32 s1, s0  }
0xbc: {  	s0 =	sadd.s32 $0x8F2B, s0  }
0xbd: {  	[sflag:s0] =	ssyncadd.remote.s32 $0x1  }
0xbe: {  	_ =	sfence.sel $0xFFFF  }
0xbf: {  	[dreg:$0x0] =	wrdreg $0xFFFFFFFF;
	(pc) =	sbr.abs _section_cstart, $3  }
0xc0: {  	[dreg:$0x1] =	wrdreg $0xFFFFFFFF  }
0xc1: {  	_ =	task.clear_ibuf [dreg:s7], $0x2FFFF;
	_ =	strace $0x9FFFFFFF  }
0xc2: {  	(tm) =	ssettm $0x7FFFFFFF  }
0xc3: {  	_ =	shalt  }
tec
execute0_lowered:
.L_overlay_start_1:
0x0: {  	(tag) =	ssettag $0x1  }
0x1: {  	s1 =	srdreg.scid;
	s2 =	rddreg [dreg:$0x0]  }
0x2: {  	s0 =	stileid.u32;
	s5 =	rddreg [dreg:$0x1];
	s3 =	simm.s32 $0x0  }
0x3: {  	s12 =	simm.s32 $0xEF80;
	s13 =	simm.s32 $0x4;
	s14 =	simm.s32 $0x1  }
0x4: {  	s15 =	simm.s32 $0x3;
	s4 =	sand.u32 $0x1, s1;
	s30 =	sshll.u32 s0, $0x1  }
0x5: {  	s16 =	simm.s32 $0x2;
	s10 =	smul.u32 $0x4E200, s0;
	s6 =	sor.u32 s4, s30  }
0x6: {  	s17 =	simm.s32 $0x0;
	s1 =	rddreg [dreg:$0x2];
	s7 =	smul.u32 $0x2710, s6  }
0x7: {  	[smem:$0x7FF] =	sst s3;
	s8 =	sadd.s32 $0xE400, s5;
	s6 =	smul.u32 $0x138800, s6  }
0x8: {  	_ =	strace $0x80000047;
	s31 =	ssub.s32 $0x2, s4;
	s11 =	smul.u32 $0x27100, s4  }
0x9: {  	s9 =	sshrl.u32 s31, $0x1;
	s7 =	sshrl.u32 s7, $0x3;
	s6 =	sshrl.u32 s6, $0x3  }
0xa: {  	s9 =	ssub.s32 s31, s9;
	s7 =	sadd.s32 s7, s5;
	s6 =	sadd.s32 s8, s6  }
0xb: {  	s8 =	sadd.s32 s10, s8;
	s10 =	simm.s32 $0x190;
	s4 =	sadd.s32 $0x4600, s7  }
0xc: {  	s5 =	sadd.s32 $0x1900, s6;
	s6 =	sadd.s32 $0x25800, s6;
	s7 =	smax.u32 s9, $0x1  }
0xd: {  	s8 =	sadd.s32 s11, s8;
	s9 =	simm.s32 $0x5;
	s11 =	simm.s32 $0x2780  }
.LBB2_1:
0xe: {  	[tilespmem:s3], [sflag:$0x5] =	stream.linear.gather [hbm4b:s4+s3], $0x2710, $0x38;
	[tilespmem:$0x1B780] =	vst v63  }
0xf: {  	_ =	swait.ge [sflag:s9], $0x2710  }
0x10: {  	[sflag:s9] =	ssyncset.done $0x0  }
0x11: {  	[sflag:s9] =	ssyncadd.s32 $0xFFFFD8F0  }
0x12: {  	[tilespmem:s11], [sflag:$0x1] =	stream.indirect.gather [hbm4b:s2+s10], $0x80, s3, s10, $0xb8;
	[tilespmem:$0x1B780] =	vst v63  }
0x13: {  	_ = 	snop  }
0x14: {  	[hbm4b:s5+s3] =	stream.linear.scatter [tilespmem:s12], [sflag:$0x4], $0xC800, $0x38;
	[tilespmem:$0x1B780] =	vst v63  }
0x15: {  	_ =	swait.ge [sflag:s13], $0xC800  }
0x16: {  	[sflag:s13] =	ssyncset.done $0x0  }
0x17: {  	s18 =	simm.s32 $0x190;
	[sflag:s13] =	ssyncadd.s32 $0xFFFF3800  }
0x18: {  	[tilespmem:s12], [sflag:$0x2] =	stream.indirect.gather [hbm4b:s2+s10], $0x80, s18, s10, $0xb8;
	[tilespmem:$0x1B780] =	vst v63  }
0x19: {  	_ =	swait.ge [sflag:s14], $0xC800  }
0x1a: {  	[sflag:s14] =	ssyncset.done $0x0  }
0x1b: {  	s19 =	sadd.s32 $0x0, s8;
	[sflag:s14] =	ssyncadd.s32 $0xFFFF3800  }
0x1c: {  	[hbm4b:s19+s3] =	stream.linear.scatter [tilespmem:s11], [sflag:$0x3], $0xC800, $0x38;
	[tilespmem:$0x1B780] =	vst v63  }
0x1d: {  	_ =	swait.ge [sflag:s15], $0xC800  }
0x1e: {  	[sflag:s15] =	ssyncset.done $0x0  }
0x1f: {  	s31 =	simm.s32 $0x320;
	[sflag:s15] =	ssyncadd.s32 $0xFFFF3800  }
0x20: {  	[tilespmem:s11], [sflag:$0x1] =	stream.indirect.gather [hbm4b:s2+s10], $0x80, s31, s10, $0xb8;
	[tilespmem:$0x1B780] =	vst v63  }
0x21: {  	_ =	swait.ge [sflag:s16], $0xC800  }
0x22: {  	s20 =	sadd.s32 $0x1900, s19;
	[sflag:s16] =	ssyncset.done $0x0  }
0x23: {  	s18 =	simm.s32 $0x3200;
	s19 =	simm.s32 $0x640;
	[sflag:s16] =	ssyncadd.s32 $0xFFFF3800  }
.LBB2_2:
0x24: {  	[hbm4b:s20+s3] =	stream.linear.scatter [tilespmem:s12], [sflag:$0x4], $0xC800, $0x38;
	[tilespmem:$0x1B780] =	vst v63  }
0x25: {  	s20 =	smov.u32 s18  }
0x26: {  	p0 =	sne.s32 s18, $0x22600;
	s18 =	sadd.s32 $0x3200, s18;
	_ =	swait.ge [sflag:s13], $0xC800  }
0x27: {  	[sflag:s13] =	ssyncset.done $0x0  }
0x28: {  	s21 =	sadd.s32 $0xFFFFFE70, s19;
	[sflag:s13] =	ssyncadd.s32 $0xFFFF3800  }
0x29: {  	[tilespmem:s12], [sflag:$0x2] =	stream.indirect.gather [hbm4b:s2+s10], $0x80, s21, s10, $0xb8;
	[tilespmem:$0x1B780] =	vst v63  }
0x2a: {  	_ =	swait.ge [sflag:s14], $0xC800  }
0x2b: {  	[sflag:s14] =	ssyncset.done $0x0  }
0x2c: {  	s20 =	sadd.s32 s20, s8;
	[sflag:s14] =	ssyncadd.s32 $0xFFFF3800  }
0x2d: {  	[hbm4b:s20+s3] =	stream.linear.scatter [tilespmem:s11], [sflag:$0x3], $0xC800, $0x38;
	[tilespmem:$0x1B780] =	vst v63  }
0x2e: {  	_ =	swait.ge [sflag:s15], $0xC800  }
0x2f: {  	[sflag:s15] =	ssyncset.done $0x0  }
.Ltmp0:
0x30: {  	[sflag:s15] =	ssyncadd.s32 $0xFFFF3800;
	(pc) =	sbr.rel @p0 .LBB2_2-.Ltmp0, $4  }
0x31: {  	[tilespmem:s11], [sflag:$0x1] =	stream.indirect.gather [hbm4b:s2+s10], $0x80, s19, s10, $0xb8;
	[tilespmem:$0x1B780] =	vst v63  }
0x32: {  	_ =	swait.ge [sflag:s16], $0xC800  }
0x33: {  	[sflag:s16] =	ssyncset.done $0x0  }
0x34: {  	s20 =	sadd.s32 $0x1900, s20;
	s19 =	sadd.s32 $0x320, s19;
	[sflag:s16] =	ssyncadd.s32 $0xFFFF3800  }
0x35: {  	[hbm4b:s20+s3] =	stream.linear.scatter [tilespmem:s12], [sflag:$0x4], $0xC800, $0x38;
	[tilespmem:$0x1B780] =	vst v63  }
0x36: {  	_ =	swait.ge [sflag:s14], $0xC800  }
0x37: {  	[sflag:s14] =	ssyncset.done $0x0  }
0x38: {  	s17 =	sadd.s32 $0x1, s17;
	[sflag:s14] =	ssyncadd.s32 $0xFFFF3800  }
0x39: {  	[hbm4b:s6+s3] =	stream.linear.scatter [tilespmem:s11], [sflag:$0x3], $0xC800, $0x38;
	[tilespmem:$0x1B780] =	vst v63  }
0x3a: {  	p0 =	sne.s32 s17, s7;
	_ =	swait.ge [sflag:s15], $0xC800  }
.Ltmp1:
0x3b: {  	[sflag:s15] =	ssyncset.done $0x0;
	(pc) =	sbr.rel @p0 .LBB2_1-.Ltmp1, $4  }
0x3c: {  	[sflag:s15] =	ssyncadd.s32 $0xFFFF3800  }
0x3d: {  	_ =	swait.ge [sflag:s13], $0xC800  }
0x3e: {  	[sflag:s13] =	ssyncset.done $0x0  }
0x3f: {  	[sflag:s13] =	ssyncadd.s32 $0xFFFF3800  }
0x40: {  	_ =	sfence.sel $0x180000  }
0x41: {  	[bflag:$0x0] =	sbarrier.arrive $0xFFFF  }
0x42: {  	p0 =	sne.s32 s0, $0x0;
	_ =	strace $0x90000047  }
0x43: {  	s0 =	sadd.s32 @!p0 $0x100000, s1;
	[bflag:$0x2] =	sbarrier.arrive $0xFFFF  }
0x44: {  	[sflag:s0] =	ssyncadd.tile.s32 @!p0 $0x1;
	_ =	shalt  }
.Lfunc_end2:
_tile_overlayer_lowered:
.L_overlay_start_2:
0x45: {  	(tag) =	ssettag $0x2  }
0x46: {  	s0 =	rddreg [dreg:$0x0];
	s2 =	stileid.u32  }
0x47: {  	s1 =	rddreg [dreg:$0x1];
	p0 =	sne.s32 s2, $0x0  }
0x48: {  	s3 =	rddreg [dreg:$0x2];
	[bflag:$0x3] =	sbarrier.arrive $0xFFFF;
	s2 =	simm.s32 @!p0 $0x1C05  }
0x49: {  	[timem:s3], [sflag:s2] =	dma.local @!p0 [hbm:s0], s1  }
0x4a: {  	s0 =	simm.s32 @!p0 $0x5  }
0x4b: {  	_ =	swait.ge @!p0 [sflag:s0], s1  }
0x4c: {  	s1 =	ssub.s32 @!p0 $0x0, s1;
	[sflag:s0] =	ssyncset.done @!p0 $0x0  }
0x4d: {  	[sflag:s0] =	ssyncadd.s32 @!p0 s1  }
0x4e: {  	[bflag:$0x3] =	sbarrier.arrive $0xFFFF  }
0x4f: {  	_ =	shalt  }

</sc_bundles>
